<compile_context>
chip_gen: v7x
topology: tpu7x:2x2x1
jax: 0.10.2.dev20260603
libtpu: 0.0.44.dev20260713+nightly
codegen_flags: <defaults>
</compile_context>

<pallas_src>
import functools

import jax
import jax.numpy as jnp
from jax import lax
from jax.experimental import pallas as pl
from jax.experimental.pallas import tpu as pltpu
from jax.experimental.pallas import tpu_sc as plsc

_N_CODES = 1024
_DIM = 64
_BETA = 0.25
_T = 2048



def _vq_block(z_ref, emb_ref, idx_ref, dsum_ref, pad_ref):
    i = pl.program_id(0)
    z = z_ref[...]
    emb = emb_ref[...]
    znorm = jnp.sum(z * z, axis=1, keepdims=True)
    enorm = jnp.sum(emb * emb, axis=1)
    scores = jax.lax.dot_general(
        z, emb, (((1,), (1,)), ((), ())),
        preferred_element_type=jnp.float32,
        precision=jax.lax.Precision.DEFAULT)
    dist = (znorm - 2.0 * scores) + enorm[None, :]
    m = jnp.min(dist, axis=1, keepdims=True)
    eqb = jnp.where(dist == m, 1.0, 0.0).astype(jnp.bfloat16)
    colsel = jax.lax.broadcasted_iota(jnp.int32, (_N_CODES, 3), 1)
    code = jax.lax.broadcasted_iota(jnp.int32, (_N_CODES, 3), 0)
    li = jnp.where(colsel == 0, code >> 5,
                   jnp.where(colsel == 1, code & 31, 1)).astype(jnp.bfloat16)
    acc = jax.lax.dot_general(
        eqb, li, (((1,), (0,)), ((), ())),
        preferred_element_type=jnp.float32,
        precision=jax.lax.Precision.DEFAULT)
    idxf = acc[:, 0] * 32.0 + acc[:, 1]
    cnt = acc[:, 2]
    idx_ref[...] = idxf.astype(jnp.int32).reshape(_T // 128, 128)

    @pl.when(jnp.sum(cnt) > _T + 0.5)
    def _ties():
        lane = jax.lax.broadcasted_iota(jnp.int32, dist.shape, 1)
        idxs = jnp.min(jnp.where(dist == m, lane, _N_CODES), axis=1)
        idx_ref[...] = idxs.reshape(_T // 128, 128)

    @pl.when(i == 0)
    def _init():
        dsum_ref[...] = jnp.zeros_like(dsum_ref)
        pad_ref[...] = jnp.concatenate([emb, jnp.zeros_like(emb)], axis=1)

    dsum_ref[...] += jnp.sum(m).reshape(1, 1)


def _tc_stage(z_flat, embedding, phase, n_phases):
    n_tok = z_flat.shape[0]
    nb = n_tok // _T // n_phases
    off = phase * nb
    idx2d, dsum, table128 = pl.pallas_call(
        _vq_block,
        grid=(nb,),
        in_specs=[
            pl.BlockSpec((_T, _DIM), lambda i: (i + off, 0)),
            pl.BlockSpec((_N_CODES, _DIM), lambda i: (0, 0)),
        ],
        out_specs=[
            pl.BlockSpec((_T // 128, 128), lambda i: (i, 0)),
            pl.BlockSpec((1, 1), lambda i: (0, 0)),
            pl.BlockSpec((_N_CODES, 128), lambda i: (0, 0)),
        ],
        out_shape=[
            jax.ShapeDtypeStruct((n_tok // n_phases // 128, 128), jnp.int32),
            jax.ShapeDtypeStruct((1, 1), jnp.float32),
            jax.ShapeDtypeStruct((_N_CODES, 128), jnp.float32),
        ],
    )(z_flat, embedding)
    return idx2d, dsum, table128



def _sc_gather(table128, idx_flat):
    info = plsc.get_sparse_core_info()
    nw = info.num_cores * info.num_subcores
    b = idx_flat.shape[0]
    b_per_w = b // nw
    chunk = 512
    n_chunks = b_per_w // chunk
    mesh = plsc.VectorSubcoreMesh(core_axis_name="c", subcore_axis_name="s")

    @functools.partial(
        pl.kernel,
        out_type=jax.ShapeDtypeStruct((b, 128), jnp.float32),
        mesh=mesh,
        scratch_types=[
            pltpu.VMEM((chunk,), jnp.int32),
            pltpu.VMEM((chunk, 128), jnp.float32),
            pltpu.SemaphoreType.DMA,
        ],
    )
    def k(table_hbm, idx_hbm, out_hbm, idx_v, rows_v, sem):
        wid = lax.axis_index("s") * info.num_cores + lax.axis_index("c")
        base = wid * b_per_w
        for c in range(n_chunks):
            lo = base + c * chunk
            pltpu.sync_copy(idx_hbm.at[pl.ds(lo, chunk)], idx_v)
            pltpu.async_copy(table_hbm.at[idx_v], rows_v, sem).wait()
            pltpu.sync_copy(rows_v, out_hbm.at[pl.ds(lo, chunk)])

    return k(table128, idx_flat)


def kernel(z, embedding):
    n_tok = z.shape[0] * z.shape[1]
    z_flat = z.reshape(n_tok, _DIM)
    idx2d, dsum, table128 = _tc_stage(z_flat, embedding, 0, 1)
    idx = idx2d.reshape(n_tok)
    zq_pad = _sc_gather(table128, idx)
    zq = zq_pad[:, :_DIM].reshape(z.shape)
    vq_loss = _BETA * (dsum[0, 0] / (n_tok * _DIM))
    return zq, idx, vq_loss

# --- scband reference (transcript-rebuilt; emitter-appended) ---
"""Pipeline reference for scband-emavector-quantizer-50053548867723 (READ-ONLY COPY).

The authoritative reference and input builder live on the scoring server;
editing this copy changes nothing except your own understanding.
"""

import jax, jax.numpy as jnp
import numpy as np

NUM_CODES = 1024
CODE_DIM = 64
COMMITMENT_COST = 0.25


def setup_inputs(seed: int = 0) -> dict:
    key = jax.random.key(seed)
    k_z, k_emb = jax.random.split(key)
    z = jax.random.normal(k_z, (32, 1024, CODE_DIM), dtype=jnp.float32)
    embedding = jax.random.normal(k_emb, (NUM_CODES, CODE_DIM), dtype=jnp.float32)
    embedding = embedding / jnp.linalg.norm(embedding, axis=1, keepdims=True)
    return {"z": z, "embedding": embedding}


def reference(z, embedding):
    # Eval-mode forward of EMAVectorQuantizer (no EMA buffer update).
    z_flat = z.reshape(-1, CODE_DIM)
    distances = (
        jnp.sum(z_flat ** 2, axis=1, keepdims=True)
        - 2.0 * z_flat @ embedding.T
        + jnp.sum(embedding ** 2, axis=1)
    )
    indices = jnp.argmin(distances, axis=1)
    z_q_flat = jnp.take(embedding, indices, axis=0)
    z_q = z_q_flat.reshape(z.shape)
    z_q_st = z + jax.lax.stop_gradient(z_q - z)
    vq_loss = COMMITMENT_COST * jnp.mean((jax.lax.stop_gradient(z_q) - z) ** 2)
    return (z_q_st, indices, vq_loss)

if __name__ == "__main__":
    import jax
    _d = setup_inputs()
    print(jax.jit(kernel)(*tuple(_d.values())))

</pallas_src>

<mosaic_0001>
#map = affine_map<(d0, d1) -> (0, 0)>
#map1 = affine_map<(d0, d1) -> (0)>
module attributes {stable_mosaic.version = 14 : i64} {
  func.func @k(%arg0: i32, %arg1: i32, %arg2: memref<1024x128xf32, #tpu.memory_space<hbm>>, %arg3: memref<32768xi32, #tpu.memory_space<hbm>>, %arg4: memref<32768x128xf32, #tpu.memory_space<hbm>>, %arg5: memref<512xi32, #tpu.memory_space<vmem>>, %arg6: memref<512x128xf32, #tpu.memory_space<vmem>>, %arg7: memref<!tpu.dma_semaphore, #tpu.memory_space<semaphore_mem>>) attributes {dimension_semantics = [#tpu.dimension_semantics<core_parallel>, #tpu.dimension_semantics<subcore_parallel>], iteration_bounds = array<i64: 2, 16>, scalar_prefetch = 0 : i64, scratch_operands = 3 : i64, tpu.core_type = #tpu.core_type<sc_vector_subcore>, window_params = [{transform_indices = #map}, {transform_indices = #map1}, {transform_indices = #map}]} {
    %mul3A = arith.constant 2 : i32
    %mul3A_0 = arith.muli %arg1, %mul3A : i32
    %add3A = arith.addi %mul3A_0, %arg0 : i32
    %mul3A_1 = arith.constant 1024 : i32
    %mul3A_2 = arith.muli %add3A, %mul3A_1 : i32
    %add3A_3 = arith.constant 0 : i32
    %add3A_4 = arith.addi %mul3A_2, %add3A_3 : i32
    "tpu.region"() ({
      %run_scoped3A = tpu.sem_alloc : memref<!tpu.dma_semaphore, #tpu.memory_space<semaphore_mem>>
      %dma_start3A_17 = tpu.memref_slice %arg3[%add3A_4] : memref<32768xi32, #tpu.memory_space<hbm>> -> memref<512xi32, #tpu.memory_space<hbm>>
      %dma_start3A_18 = tpu.memref_slice %arg3[%add3A_4] : memref<32768xi32, #tpu.memory_space<hbm>> -> memref<512xi32, #tpu.memory_space<hbm>>
      tpu.enqueue_dma source(%dma_start3A_18 : memref<512xi32, #tpu.memory_space<hbm>>) target(%arg5 : memref<512xi32, #tpu.memory_space<vmem>>) target_semaphore(%run_scoped3A : memref<!tpu.dma_semaphore, #tpu.memory_space<semaphore_mem>>)
      %dma_wait3A_19 = tpu.memref_slice %arg3[%add3A_4] : memref<32768xi32, #tpu.memory_space<hbm>> -> memref<512xi32, #tpu.memory_space<hbm>>
      %dma_wait3A_20 = tpu.memref_slice %arg3[%add3A_4] : memref<32768xi32, #tpu.memory_space<hbm>> -> memref<512xi32, #tpu.memory_space<hbm>>
      tpu.wait_dma2 semaphore(%run_scoped3A : memref<!tpu.dma_semaphore, #tpu.memory_space<semaphore_mem>>) src(%dma_wait3A_20 : memref<512xi32, #tpu.memory_space<hbm>>) dst(%arg5 : memref<512xi32, #tpu.memory_space<vmem>>)
      tpu.yield
    }) : () -> ()
    %dma_start3A = arith.constant 0 : i32
    %dma_start3A_5 = arith.constant 0 : i32
    %dma_start3A_6 = tpu.memref_slice %arg2[%dma_start3A, %dma_start3A_5] : memref<1024x128xf32, #tpu.memory_space<hbm>> -> memref<1024x128xf32, #tpu.memory_space<hbm>>
    tpu.enqueue_indirect_dma source(%dma_start3A_6 : memref<1024x128xf32, #tpu.memory_space<hbm>>) target(%arg6 : memref<512x128xf32, #tpu.memory_space<vmem>>) offsets(%arg5 : memref<512xi32, #tpu.memory_space<vmem>>) semaphore(%arg7 : memref<!tpu.dma_semaphore, #tpu.memory_space<semaphore_mem>>)
    %dma_wait3A = arith.constant 0 : i32
    %dma_wait3A_7 = arith.constant 0 : i32
    %dma_wait3A_8 = tpu.memref_slice %arg2[%dma_wait3A, %dma_wait3A_7] : memref<1024x128xf32, #tpu.memory_space<hbm>> -> memref<1024x128xf32, #tpu.memory_space<hbm>>
    tpu.wait_indirect_dma semaphore(%arg7 : memref<!tpu.dma_semaphore, #tpu.memory_space<semaphore_mem>>) src(%dma_wait3A_8 : memref<1024x128xf32, #tpu.memory_space<hbm>>) dst(%arg6 : memref<512x128xf32, #tpu.memory_space<vmem>>)
    "tpu.region"() ({
      %run_scoped3A = tpu.sem_alloc : memref<!tpu.dma_semaphore, #tpu.memory_space<semaphore_mem>>
      %dma_start3A_17 = arith.constant 0 : i32
      %dma_start3A_18 = tpu.memref_slice %arg4[%add3A_4, %dma_start3A_17] : memref<32768x128xf32, #tpu.memory_space<hbm>> -> memref<512x128xf32, #tpu.memory_space<hbm>>
      %dma_start3A_19 = arith.constant 0 : i32
      %dma_start3A_20 = tpu.memref_slice %arg4[%add3A_4, %dma_start3A_19] : memref<32768x128xf32, #tpu.memory_space<hbm>> -> memref<512x128xf32, #tpu.memory_space<hbm>>
      tpu.enqueue_dma source(%arg6 : memref<512x128xf32, #tpu.memory_space<vmem>>) target(%dma_start3A_20 : memref<512x128xf32, #tpu.memory_space<hbm>>) target_semaphore(%run_scoped3A : memref<!tpu.dma_semaphore, #tpu.memory_space<semaphore_mem>>)
      %dma_wait3A_21 = arith.constant 0 : i32
      %dma_wait3A_22 = tpu.memref_slice %arg4[%add3A_4, %dma_wait3A_21] : memref<32768x128xf32, #tpu.memory_space<hbm>> -> memref<512x128xf32, #tpu.memory_space<hbm>>
      %dma_wait3A_23 = arith.constant 0 : i32
      %dma_wait3A_24 = tpu.memref_slice %arg4[%add3A_4, %dma_wait3A_23] : memref<32768x128xf32, #tpu.memory_space<hbm>> -> memref<512x128xf32, #tpu.memory_space<hbm>>
      tpu.wait_dma2 semaphore(%run_scoped3A : memref<!tpu.dma_semaphore, #tpu.memory_space<semaphore_mem>>) src(%arg6 : memref<512x128xf32, #tpu.memory_space<vmem>>) dst(%dma_wait3A_24 : memref<512x128xf32, #tpu.memory_space<hbm>>)
      tpu.yield
    }) : () -> ()
    %add3A_9 = arith.constant 512 : i32
    %add3A_10 = arith.addi %mul3A_2, %add3A_9 : i32
    "tpu.region"() ({
      %run_scoped3A = tpu.sem_alloc : memref<!tpu.dma_semaphore, #tpu.memory_space<semaphore_mem>>
      %dma_start3A_17 = tpu.memref_slice %arg3[%add3A_10] : memref<32768xi32, #tpu.memory_space<hbm>> -> memref<512xi32, #tpu.memory_space<hbm>>
      %dma_start3A_18 = tpu.memref_slice %arg3[%add3A_10] : memref<32768xi32, #tpu.memory_space<hbm>> -> memref<512xi32, #tpu.memory_space<hbm>>
      tpu.enqueue_dma source(%dma_start3A_18 : memref<512xi32, #tpu.memory_space<hbm>>) target(%arg5 : memref<512xi32, #tpu.memory_space<vmem>>) target_semaphore(%run_scoped3A : memref<!tpu.dma_semaphore, #tpu.memory_space<semaphore_mem>>)
      %dma_wait3A_19 = tpu.memref_slice %arg3[%add3A_10] : memref<32768xi32, #tpu.memory_space<hbm>> -> memref<512xi32, #tpu.memory_space<hbm>>
      %dma_wait3A_20 = tpu.memref_slice %arg3[%add3A_10] : memref<32768xi32, #tpu.memory_space<hbm>> -> memref<512xi32, #tpu.memory_space<hbm>>
      tpu.wait_dma2 semaphore(%run_scoped3A : memref<!tpu.dma_semaphore, #tpu.memory_space<semaphore_mem>>) src(%dma_wait3A_20 : memref<512xi32, #tpu.memory_space<hbm>>) dst(%arg5 : memref<512xi32, #tpu.memory_space<vmem>>)
      tpu.yield
    }) : () -> ()
    %dma_start3A_11 = arith.constant 0 : i32
    %dma_start3A_12 = arith.constant 0 : i32
    %dma_start3A_13 = tpu.memref_slice %arg2[%dma_start3A_11, %dma_start3A_12] : memref<1024x128xf32, #tpu.memory_space<hbm>> -> memref<1024x128xf32, #tpu.memory_space<hbm>>
    tpu.enqueue_indirect_dma source(%dma_start3A_13 : memref<1024x128xf32, #tpu.memory_space<hbm>>) target(%arg6 : memref<512x128xf32, #tpu.memory_space<vmem>>) offsets(%arg5 : memref<512xi32, #tpu.memory_space<vmem>>) semaphore(%arg7 : memref<!tpu.dma_semaphore, #tpu.memory_space<semaphore_mem>>)
    %dma_wait3A_14 = arith.constant 0 : i32
    %dma_wait3A_15 = arith.constant 0 : i32
    %dma_wait3A_16 = tpu.memref_slice %arg2[%dma_wait3A_14, %dma_wait3A_15] : memref<1024x128xf32, #tpu.memory_space<hbm>> -> memref<1024x128xf32, #tpu.memory_space<hbm>>
    tpu.wait_indirect_dma semaphore(%arg7 : memref<!tpu.dma_semaphore, #tpu.memory_space<semaphore_mem>>) src(%dma_wait3A_16 : memref<1024x128xf32, #tpu.memory_space<hbm>>) dst(%arg6 : memref<512x128xf32, #tpu.memory_space<vmem>>)
    "tpu.region"() ({
      %run_scoped3A = tpu.sem_alloc : memref<!tpu.dma_semaphore, #tpu.memory_space<semaphore_mem>>
      %dma_start3A_17 = arith.constant 0 : i32
      %dma_start3A_18 = tpu.memref_slice %arg4[%add3A_10, %dma_start3A_17] : memref<32768x128xf32, #tpu.memory_space<hbm>> -> memref<512x128xf32, #tpu.memory_space<hbm>>
      %dma_start3A_19 = arith.constant 0 : i32
      %dma_start3A_20 = tpu.memref_slice %arg4[%add3A_10, %dma_start3A_19] : memref<32768x128xf32, #tpu.memory_space<hbm>> -> memref<512x128xf32, #tpu.memory_space<hbm>>
      tpu.enqueue_dma source(%arg6 : memref<512x128xf32, #tpu.memory_space<vmem>>) target(%dma_start3A_20 : memref<512x128xf32, #tpu.memory_space<hbm>>) target_semaphore(%run_scoped3A : memref<!tpu.dma_semaphore, #tpu.memory_space<semaphore_mem>>)
      %dma_wait3A_21 = arith.constant 0 : i32
      %dma_wait3A_22 = tpu.memref_slice %arg4[%add3A_10, %dma_wait3A_21] : memref<32768x128xf32, #tpu.memory_space<hbm>> -> memref<512x128xf32, #tpu.memory_space<hbm>>
      %dma_wait3A_23 = arith.constant 0 : i32
      %dma_wait3A_24 = tpu.memref_slice %arg4[%add3A_10, %dma_wait3A_23] : memref<32768x128xf32, #tpu.memory_space<hbm>> -> memref<512x128xf32, #tpu.memory_space<hbm>>
      tpu.wait_dma2 semaphore(%run_scoped3A : memref<!tpu.dma_semaphore, #tpu.memory_space<semaphore_mem>>) src(%arg6 : memref<512x128xf32, #tpu.memory_space<vmem>>) dst(%dma_wait3A_24 : memref<512x128xf32, #tpu.memory_space<hbm>>)
      tpu.yield
    }) : () -> ()
    return
  }
}

module attributes {stable_mosaic.version = 14 : i64} {
  func.func @_vq_block(%arg0: i32, %arg1: memref<2048x64xf32, #tpu.memory_space<vmem>>, %arg2: memref<1024x64xf32, #tpu.memory_space<vmem>>, %arg3: memref<16x128xi32, #tpu.memory_space<vmem>>, %arg4: memref<1x1xf32, #tpu.memory_space<vmem>>, %arg5: memref<1024x128xf32, #tpu.memory_space<vmem>>) attributes {dimension_semantics = [#tpu.dimension_semantics<arbitrary>], iteration_bounds = array<i64: 16>, scalar_prefetch = 0 : i64, scratch_operands = 0 : i64, tpu.core_type = #tpu.core_type<tc>, window_params = [{transform_indices = @transform_0, window_bounds = array<i64: 2048, 64>}, {pipeline_mode = #tpu.pipeline_mode<synchronous>, transform_indices = @transform_1, window_bounds = array<i64: 1024, 64>}, {transform_indices = @transform_2, window_bounds = array<i64: 16, 128>}, {pipeline_mode = #tpu.pipeline_mode<synchronous>, transform_indices = @transform_3, window_bounds = array<i64: 1, 1>}, {pipeline_mode = #tpu.pipeline_mode<synchronous>, transform_indices = @transform_4, window_bounds = array<i64: 1024, 128>}]} {
    %get3A = arith.constant 0 : index
    %get3A_0 = arith.constant 0 : index
    %get3A_1 = vector.load %arg1[%get3A, %get3A_0] : memref<2048x64xf32, #tpu.memory_space<vmem>>, vector<2048x64xf32>
    %get3A_2 = arith.constant 0 : index
    %get3A_3 = arith.constant 0 : index
    %get3A_4 = vector.load %arg2[%get3A_2, %get3A_3] : memref<1024x64xf32, #tpu.memory_space<vmem>>, vector<1024x64xf32>
    %mul3A = arith.mulf %get3A_1, %get3A_1 : vector<2048x64xf32>
    %reduce_sum3A = arith.constant dense<0.000000e+00> : vector<2048xf32>
    %reduce_sum3A_5 = vector.multi_reduction <add>, %mul3A, %reduce_sum3A [1] : vector<2048x64xf32> to vector<2048xf32>
    %broadcast_in_dim3A = vector.shape_cast %reduce_sum3A_5 : vector<2048xf32> to vector<2048x1xf32>
    %mul3A_6 = arith.mulf %get3A_4, %get3A_4 : vector<1024x64xf32>
    %reduce_sum3A_7 = arith.constant dense<0.000000e+00> : vector<1024xf32>
    %reduce_sum3A_8 = vector.multi_reduction <add>, %mul3A_6, %reduce_sum3A_7 [1] : vector<1024x64xf32> to vector<1024xf32>
    %dot_general3A = arith.constant dense<0.000000e+00> : vector<2048x1024xf32>
    %dot_general3A_9 = tpu.matmul %get3A_1, %get3A_4, %dot_general3A {dimension_numbers = #tpu.dot_dimension_numbers<[1], [1], [0], [0], [0, 0, 1, 0], [], []>, transpose_lhs_hint = false} : vector<2048x64xf32>, vector<1024x64xf32>, vector<2048x1024xf32> -> vector<2048x1024xf32>
    %mul3A_10 = arith.constant 2.000000e+00 : f32
    %mul3A_11 = vector.broadcast %mul3A_10 : f32 to vector<2048x1024xf32>
    %mul3A_12 = arith.mulf %mul3A_11, %dot_general3A_9 : vector<2048x1024xf32>
    %sub3A = vector.broadcast %broadcast_in_dim3A : vector<2048x1xf32> to vector<2048x1024xf32>
    %sub3A_13 = arith.subf %sub3A, %mul3A_12 : vector<2048x1024xf32>
    %broadcast_in_dim3A_14 = vector.shape_cast %reduce_sum3A_8 : vector<1024xf32> to vector<1x1024xf32>
    %add3A = vector.broadcast %broadcast_in_dim3A_14 : vector<1x1024xf32> to vector<2048x1024xf32>
    %add3A_15 = arith.addf %sub3A_13, %add3A : vector<2048x1024xf32>
    %reduce_min3A = arith.constant dense<0x7F800000> : vector<2048xf32>
    %reduce_min3A_16 = vector.multi_reduction <minimumf>, %add3A_15, %reduce_min3A [1] : vector<2048x1024xf32> to vector<2048xf32>
    %broadcast_in_dim3A_17 = vector.shape_cast %reduce_min3A_16 : vector<2048xf32> to vector<2048x1xf32>
    %eq3A = vector.broadcast %broadcast_in_dim3A_17 : vector<2048x1xf32> to vector<2048x1024xf32>
    %eq3A_18 = arith.cmpf oeq, %add3A_15, %eq3A : vector<2048x1024xf32>
    %jit3A = arith.constant 1.000000e+00 : f32
    %jit3A_19 = arith.constant 0.000000e+00 : f32
    %broadcast_in_dim3A_20 = vector.broadcast %jit3A : f32 to vector<2048x1024xf32>
    %broadcast_in_dim3A_21 = vector.broadcast %jit3A_19 : f32 to vector<2048x1024xf32>
    %select_n3A = arith.select %eq3A_18, %broadcast_in_dim3A_20, %broadcast_in_dim3A_21 : vector<2048x1024xi1>, vector<2048x1024xf32>
    %convert_element_type3A = arith.truncf %select_n3A : vector<2048x1024xf32> to vector<2048x1024xbf16>
    %iota3A = tpu.iota {dimensions = array<i32: 1>} : vector<1024x3xi32>
    %iota3A_22 = tpu.iota {dimensions = array<i32: 0>} : vector<1024x3xi32>
    %eq3A_23 = arith.constant 0 : i32
    %eq3A_24 = vector.broadcast %eq3A_23 : i32 to vector<1024x3xi32>
    %eq3A_25 = arith.cmpi eq, %iota3A, %eq3A_24 : vector<1024x3xi32>
    %shift_right_arithmetic3A = arith.constant 5 : i32
    %shift_right_arithmetic3A_26 = vector.broadcast %shift_right_arithmetic3A : i32 to vector<1024x3xi32>
    %shift_right_arithmetic3A_27 = arith.shrsi %iota3A_22, %shift_right_arithmetic3A_26 : vector<1024x3xi32>
    %eq3A_28 = arith.constant 1 : i32
    %eq3A_29 = vector.broadcast %eq3A_28 : i32 to vector<1024x3xi32>
    %eq3A_30 = arith.cmpi eq, %iota3A, %eq3A_29 : vector<1024x3xi32>
    %and3A = arith.constant 31 : i32
    %and3A_31 = vector.broadcast %and3A : i32 to vector<1024x3xi32>
    %and3A_32 = arith.andi %iota3A_22, %and3A_31 : vector<1024x3xi32>
    %jit3A_33 = arith.constant 1 : i32
    %broadcast_in_dim3A_34 = vector.broadcast %jit3A_33 : i32 to vector<1024x3xi32>
    %select_n3A_35 = arith.select %eq3A_30, %and3A_32, %broadcast_in_dim3A_34 : vector<1024x3xi1>, vector<1024x3xi32>
    %select_n3A_36 = arith.select %eq3A_25, %shift_right_arithmetic3A_27, %select_n3A_35 : vector<1024x3xi1>, vector<1024x3xi32>
    %convert_element_type3A_37 = arith.sitofp %select_n3A_36 : vector<1024x3xi32> to vector<1024x3xbf16>
    %dot_general3A_38 = arith.constant dense<0.000000e+00> : vector<2048x3xf32>
    %dot_general3A_39 = tpu.matmul %convert_element_type3A, %convert_element_type3A_37, %dot_general3A_38 {dimension_numbers = #tpu.dot_dimension_numbers<[1], [0], [0], [1], [0, 0, 1, 1], [], []>, transpose_lhs_hint = false} : vector<2048x1024xbf16>, vector<1024x3xbf16>, vector<2048x3xf32> -> vector<2048x3xf32>
    %slice3A = vector.extract_strided_slice %dot_general3A_39 {offsets = [0, 0], sizes = [2048, 1], strides = [1, 1]} : vector<2048x3xf32> to vector<2048x1xf32>
    %squeeze3A = vector.shape_cast %slice3A : vector<2048x1xf32> to vector<2048xf32>
    %mul3A_40 = arith.constant 3.200000e+01 : f32
    %mul3A_41 = vector.broadcast %mul3A_40 : f32 to vector<2048xf32>
    %mul3A_42 = arith.mulf %squeeze3A, %mul3A_41 : vector<2048xf32>
    %slice3A_43 = vector.extract_strided_slice %dot_general3A_39 {offsets = [0, 1], sizes = [2048, 1], strides = [1, 1]} : vector<2048x3xf32> to vector<2048x1xf32>
    %squeeze3A_44 = vector.shape_cast %slice3A_43 : vector<2048x1xf32> to vector<2048xf32>
    %add3A_45 = arith.addf %mul3A_42, %squeeze3A_44 : vector<2048xf32>
    %slice3A_46 = vector.extract_strided_slice %dot_general3A_39 {offsets = [0, 2], sizes = [2048, 1], strides = [1, 1]} : vector<2048x3xf32> to vector<2048x1xf32>
    %squeeze3A_47 = vector.shape_cast %slice3A_46 : vector<2048x1xf32> to vector<2048xf32>
    %convert_element_type3A_48 = arith.fptosi %add3A_45 : vector<2048xf32> to vector<2048xi32>
    %reshape3A = vector.shape_cast %convert_element_type3A_48 : vector<2048xi32> to vector<16x128xi32>
    %swap3A = arith.constant 0 : index
    %swap3A_49 = arith.constant 0 : index
    %swap3A_50 = vector.load %arg3[%swap3A, %swap3A_49] : memref<16x128xi32, #tpu.memory_space<vmem>>, vector<16x128xi32>
    tpu.vector_store %arg3[%swap3A, %swap3A_49], %reshape3A {strides = array<i32>} : memref<16x128xi32, #tpu.memory_space<vmem>>, vector<16x128xi32>,
    %reduce_sum3A_51 = vector.shape_cast %squeeze3A_47 : vector<2048xf32> to vector<1x2048xf32>
    %reduce_sum3A_52 = arith.constant dense<0.000000e+00> : vector<1xf32>
    %reduce_sum3A_53 = vector.multi_reduction <add>, %reduce_sum3A_51, %reduce_sum3A_52 [1] : vector<1x2048xf32> to vector<1xf32>
    %reduce_sum3A_54 = vector.shape_cast %reduce_sum3A_53 : vector<1xf32> to vector<1x1xf32>
    %reduce_sum3A_55 = vector.extract %reduce_sum3A_54[0, 0] : f32 from vector<1x1xf32>
    %gt3A = arith.constant 2.048500e+03 : f32
    %gt3A_56 = arith.cmpf ogt, %reduce_sum3A_55, %gt3A : f32
    %convert_element_type3A_57 = arith.extui %gt3A_56 : i1 to i32
    %cond3A = arith.constant 0 : i32
    %cond3A_58 = arith.cmpi ne, %convert_element_type3A_57, %cond3A : i32
    scf.if %cond3A_58 {
      %iota3A_77 = tpu.iota {dimensions = array<i32: 1>} : vector<2048x1024xi32>
      %eq3A_78 = vector.broadcast %broadcast_in_dim3A_17 : vector<2048x1xf32> to vector<2048x1024xf32>
      %eq3A_79 = arith.cmpf oeq, %add3A_15, %eq3A_78 : vector<2048x1024xf32>
      %jit3A_80 = arith.constant 1024 : i32
      %broadcast_in_dim3A_81 = vector.broadcast %jit3A_80 : i32 to vector<2048x1024xi32>
      %select_n3A_82 = arith.select %eq3A_79, %iota3A_77, %broadcast_in_dim3A_81 : vector<2048x1024xi1>, vector<2048x1024xi32>
      %reduce_min3A_83 = arith.constant dense<2147483647> : vector<2048xi32>
      %reduce_min3A_84 = vector.multi_reduction <minsi>, %select_n3A_82, %reduce_min3A_83 [1] : vector<2048x1024xi32> to vector<2048xi32>
      %reshape3A_85 = vector.shape_cast %reduce_min3A_84 : vector<2048xi32> to vector<16x128xi32>
      %swap3A_86 = arith.constant 0 : index
      %swap3A_87 = arith.constant 0 : index
      %swap3A_88 = vector.load %arg3[%swap3A_86, %swap3A_87] : memref<16x128xi32, #tpu.memory_space<vmem>>, vector<16x128xi32>
      tpu.vector_store %arg3[%swap3A_86, %swap3A_87], %reshape3A_85 {strides = array<i32>} : memref<16x128xi32, #tpu.memory_space<vmem>>, vector<16x128xi32>,
    } else {
    }
    %eq3A_59 = arith.constant 0 : i32
    %eq3A_60 = arith.cmpi eq, %arg0, %eq3A_59 : i32
    %convert_element_type3A_61 = arith.extui %eq3A_60 : i1 to i32
    %cond3A_62 = arith.constant 0 : i32
    %cond3A_63 = arith.cmpi ne, %convert_element_type3A_61, %cond3A_62 : i32
    scf.if %cond3A_63 {
      %broadcast_in_dim3A_77 = arith.constant 0.000000e+00 : f32
      %broadcast_in_dim3A_78 = vector.broadcast %broadcast_in_dim3A_77 : f32 to vector<1x1xf32>
      %swap3A_79 = arith.constant 0 : index
      %swap3A_80 = arith.constant 0 : index
      %swap3A_81 = vector.load %arg4[%swap3A_79, %swap3A_80] : memref<1x1xf32, #tpu.memory_space<vmem>>, vector<1x1xf32>
      tpu.vector_store %arg4[%swap3A_79, %swap3A_80], %broadcast_in_dim3A_78 {strides = array<i32>} : memref<1x1xf32, #tpu.memory_space<vmem>>, vector<1x1xf32>,
      %broadcast_in_dim3A_82 = arith.constant 0.000000e+00 : f32
      %broadcast_in_dim3A_83 = vector.broadcast %broadcast_in_dim3A_82 : f32 to vector<1024x64xf32>
      %concatenate3A = tpu.concatenate %get3A_4, %broadcast_in_dim3A_83 in 1 : vector<1024x64xf32>, vector<1024x64xf32> -> vector<1024x128xf32>
      %swap3A_84 = arith.constant 0 : index
      %swap3A_85 = arith.constant 0 : index
      %swap3A_86 = vector.load %arg5[%swap3A_84, %swap3A_85] : memref<1024x128xf32, #tpu.memory_space<vmem>>, vector<1024x128xf32>
      tpu.vector_store %arg5[%swap3A_84, %swap3A_85], %concatenate3A {strides = array<i32>} : memref<1024x128xf32, #tpu.memory_space<vmem>>, vector<1024x128xf32>,
    } else {
    }
    %get3A_64 = arith.constant 0 : index
    %get3A_65 = arith.constant 0 : index
    %get3A_66 = vector.load %arg4[%get3A_64, %get3A_65] : memref<1x1xf32, #tpu.memory_space<vmem>>, vector<1x1xf32>
    %reduce_sum3A_67 = vector.shape_cast %broadcast_in_dim3A_17 : vector<2048x1xf32> to vector<1x2048x1xf32>
    %reduce_sum3A_68 = arith.constant dense<0.000000e+00> : vector<1xf32>
    %reduce_sum3A_69 = vector.multi_reduction <add>, %reduce_sum3A_67, %reduce_sum3A_68 [1, 2] : vector<1x2048x1xf32> to vector<1xf32>
    %reduce_sum3A_70 = vector.shape_cast %reduce_sum3A_69 : vector<1xf32> to vector<1x1x1xf32>
    %reduce_sum3A_71 = vector.extract %reduce_sum3A_70[0, 0, 0] : f32 from vector<1x1x1xf32>
    %reshape3A_72 = vector.broadcast %reduce_sum3A_71 : f32 to vector<1x1xf32>
    %add3A_73 = arith.addf %get3A_66, %reshape3A_72 : vector<1x1xf32>
    %swap3A_74 = arith.constant 0 : index
    %swap3A_75 = arith.constant 0 : index
    %swap3A_76 = vector.load %arg4[%swap3A_74, %swap3A_75] : memref<1x1xf32, #tpu.memory_space<vmem>>, vector<1x1xf32>
    tpu.vector_store %arg4[%swap3A_74, %swap3A_75], %add3A_73 {strides = array<i32>} : memref<1x1xf32, #tpu.memory_space<vmem>>, vector<1x1xf32>,
    return
  }
  func.func @transform_0(%arg0: i32) -> (i32, i32) {
    %add3A = arith.constant 0 : i32
    %add3A_0 = arith.addi %arg0, %add3A : i32
    %c0_i32 = arith.constant 0 : i32
    %c0_i32_1 = arith.constant 0 : i32
    return %add3A_0, %c0_i32 : i32, i32
  }
  func.func @transform_1(%arg0: i32) -> (i32, i32) {
    %c0_i32 = arith.constant 0 : i32
    %c0_i32_0 = arith.constant 0 : i32
    %c0_i32_1 = arith.constant 0 : i32
    return %c0_i32, %c0_i32_0 : i32, i32
  }
  func.func @transform_2(%arg0: i32) -> (i32, i32) {
    %c0_i32 = arith.constant 0 : i32
    %c0_i32_0 = arith.constant 0 : i32
    return %arg0, %c0_i32 : i32, i32
  }
  func.func @transform_3(%arg0: i32) -> (i32, i32) {
    %c0_i32 = arith.constant 0 : i32
    %c0_i32_0 = arith.constant 0 : i32
    %c0_i32_1 = arith.constant 0 : i32
    return %c0_i32, %c0_i32_0 : i32, i32
  }
  func.func @transform_4(%arg0: i32) -> (i32, i32) {
    %c0_i32 = arith.constant 0 : i32
    %c0_i32_0 = arith.constant 0 : i32
    %c0_i32_1 = arith.constant 0 : i32
    return %c0_i32, %c0_i32_0 : i32, i32
  }
}

</mosaic_0001>

<sc_bundles>
// kernel: kernel.4.cloned.1.call-start
scs
__scs_entry_jumppad:
0x0: {  	(pc) =	sbr.rel $0x88, $3  }
0x1: {  	(tag) =	ssettag $0x0;
	lr =	simm.s32 $0x1  }
0x2: {  	[smem:$0x3F9F] =	sst lr;
	_ =	strace $0xD0000000  }
0x3: {  	_ = 	snop  }
0x4: {  	_ = 	snop  }
0x5: {  	_ = 	snop  }
0x6: {  	_ = 	snop  }
0x7: {  	_ = 	snop  }
__scs_overlays_trampoline_lowered:
0x8: {  	[smem:$0x3FAE] =	sst s0  }
0x9: {  	[smem:$0x3FAF] =	sst s1  }
0xa: {  	[smem:$0x3FB0] =	sst s2  }
0xb: {  	[smem:$0x3FB1] =	sst s3  }
0xc: {  	[smem:$0x3FB2] =	sst s4  }
0xd: {  	[smem:$0x3FB3] =	sst s5  }
0xe: {  	[smem:$0x3FB4] =	sst s6  }
0xf: {  	[smem:$0x3FB5] =	sst s7  }
0x10: {  	[smem:$0x3FB6] =	sst s8  }
0x11: {  	[smem:$0x3FB7] =	sst s9;
	s0 =	simm.s32 @!p0 $0x0  }
0x12: {  	s1 =	sld [smem:$0x3F9D];
	s0 =	simm.s32 @p0 $0x1  }
0x13: {  	[smem:$0x3FB8] =	sst s0;
	s0 =	simm.s32 @!p1 $0x0  }
0x14: {  	s2 =	sld [smem:$0x3F9C];
	s0 =	simm.s32 @p1 $0x1  }
0x15: {  	[smem:$0x3FB9] =	sst s0;
	s0 =	simm.s32 @!p2 $0x0  }
0x16: {  	s3 =	sld [smem:$0x3FDB];
	s0 =	simm.s32 @p2 $0x1  }
0x17: {  	s4 =	simm.s32 $0x1BF5;
	[smem:$0x3FBB] =	sst s0  }
0x18: {  	s0 =	sld [smem:$0x3F9E];
	_ =	swait.ge [sflag:s4], $0x0  }
0x19: {  	s7 =	sld [smem:$0x3F9F]  }
0x1a: {  	s8 =	sadd.s32 $0xFFFFE003, lr  }
0x1b: {  	s9 =	sadd.s32 $0xFFFFFEF7, lr;
	s5 =	simm.s32 $0xFFFFFFFF;
	p2 =	slt.u32 s8, $0xFFFFF086  }
0x1c: {  	p1 =	slt.u32 s9, $0xF7A;
	s5 =	simm.s32 @!p2 $0x0  }
0x1d: {  	s5 =	simm.s32 @p1 $0x1;
	p0 =	seq.s32 s7, s2  }
0x1e: {  	s7 =	smul.u32 @!p0 $0xF7A, s2;
	p2 =	seq.s32 @!p0 s5, $0x0  }
0x1f: {  	s9 =	smul.u32 $0xF7A, s1;
	s8 =	simm.s32 @!p0 $0x1BF5;
	p2 =	por !p2, p0  }
0x20: {  	[sflag:s8] =	ssyncset.s32 @!p0 $0xFFFFF086;
	s6 =	sadd.s32 @!p0 s3, s7;
	s7 =	simm.s32 @!p0 $0x108  }
0x21: {  	s3 =	sadd.s32 s3, s9;
	s6 =	sadd.s32 @!p0 $0x88, s6;
	s7 =	simm.s32 @p2 $0x1082  }
0x22: {  	[simem:s7], [sflag:s8] =	dma.local @!p0 [hbm:s6], $0xF7A  }
0x23: {  	s9 =	sor.u32 $0xD0000000, s2;
	s6 =	simm.s32 $0x108;
	_ =	swait.ge @!p0 [sflag:s8], $0x0  }
0x24: {  	s3 =	sadd.s32 $0x88, s3;
	s6 =	simm.s32 @!p1 $0x1082;
	[sflag:s4] =	ssyncset.s32 $0xFFFFF086  }
0x25: {  	[simem:s6], [sflag:s4] =	dma.local [hbm:s3], $0xF7A  }
0x26: {  	[smem:$0x3F9F] =	sst s1;
	(tag) =	ssettag s2;
	_ =	strace s9  }
0x27: {  	s1 =	sld [smem:$0x3FAF]  }
0x28: {  	s2 =	sld [smem:$0x3FB0]  }
0x29: {  	s4 =	sld [smem:$0x3FB2]  }
0x2a: {  	p0 =	seq.s32 s5, $0x0;
	s5 =	sld [smem:$0x3FB3]  }
0x2b: {  	s6 =	sld [smem:$0x3FB4]  }
0x2c: {  	s7 =	sld [smem:$0x3FB5]  }
0x2d: {  	s3 =	simm.s32 $0x108;
	s8 =	sld [smem:$0x3FB6]  }
0x2e: {  	s3 =	simm.s32 @!p0 $0x1082;
	s9 =	sld [smem:$0x3FB7]  }
0x2f: {  	lr =	sadd.s32 s0, s3;
	s0 =	sld [smem:$0x3FAE]  }
0x30: {  	s3 =	sld [smem:$0x3FB1]  }
0x31: {  	[smem:$0x3FBA] =	sst s10  }
0x32: {  	s10 =	sld [smem:$0x3FB8];
	_ =	sdelay $0x3  }
0x33: {  	p0 =	seq.s32 s10, $0x1;
	s10 =	sld [smem:$0x3FBA];
	_ =	sdelay $0x3  }
0x34: {  	[smem:$0x3FBA] =	sst s10  }
0x35: {  	s10 =	sld [smem:$0x3FB9];
	_ =	sdelay $0x3  }
0x36: {  	p1 =	seq.s32 s10, $0x1;
	s10 =	sld [smem:$0x3FBA];
	_ =	sdelay $0x3  }
0x37: {  	[smem:$0x3FBA] =	sst s10  }
0x38: {  	s10 =	sld [smem:$0x3FBB]  }
0x39: {  	_ = 	snop;
	(pc) =	sbr.ind lr, $3  }
0x3a: {  	_ = 	snop  }
0x3b: {  	_ = 	snop  }
0x3c: {  	p2 =	seq.s32 s10, $0x1;
	s10 =	sld [smem:$0x3FBA]  }
0x3d: {  	_ =	shalt  }
0x3e: {  	_ =	shalt  }
0x3f: {  	_ =	shalt  }
0x40: {  	_ =	shalt  }
0x41: {  	_ =	shalt  }
0x42: {  	_ =	shalt  }
0x43: {  	_ =	shalt  }
0x44: {  	_ =	shalt  }
0x45: {  	_ =	shalt  }
0x46: {  	_ =	shalt  }
0x47: {  	_ =	shalt  }
0x48: {  	_ =	shalt  }
0x49: {  	_ =	shalt  }
0x4a: {  	_ =	shalt  }
0x4b: {  	_ =	shalt  }
0x4c: {  	_ =	shalt  }
0x4d: {  	_ =	shalt  }
0x4e: {  	_ =	shalt  }
0x4f: {  	_ =	shalt  }
0x50: {  	_ =	shalt  }
0x51: {  	_ =	shalt  }
0x52: {  	_ =	shalt  }
0x53: {  	_ =	shalt  }
0x54: {  	_ =	shalt  }
0x55: {  	_ =	shalt  }
0x56: {  	_ =	shalt  }
0x57: {  	_ =	shalt  }
0x58: {  	_ =	shalt  }
0x59: {  	_ =	shalt  }
0x5a: {  	_ =	shalt  }
0x5b: {  	_ =	shalt  }
0x5c: {  	_ =	shalt  }
0x5d: {  	_ =	shalt  }
0x5e: {  	_ =	shalt  }
0x5f: {  	_ =	shalt  }
0x60: {  	_ =	shalt  }
0x61: {  	_ =	shalt  }
0x62: {  	_ =	shalt  }
0x63: {  	_ =	shalt  }
0x64: {  	_ =	shalt  }
0x65: {  	_ =	shalt  }
0x66: {  	_ =	shalt  }
0x67: {  	_ =	shalt  }
0x68: {  	_ =	shalt  }
0x69: {  	_ =	shalt  }
0x6a: {  	_ =	shalt  }
0x6b: {  	_ =	shalt  }
0x6c: {  	_ =	shalt  }
0x6d: {  	_ =	shalt  }
0x6e: {  	_ =	shalt  }
0x6f: {  	_ =	shalt  }
0x70: {  	_ =	shalt  }
0x71: {  	_ =	shalt  }
0x72: {  	_ =	shalt  }
0x73: {  	_ =	shalt  }
0x74: {  	_ =	shalt  }
0x75: {  	_ =	shalt  }
0x76: {  	_ =	shalt  }
0x77: {  	_ =	shalt  }
0x78: {  	_ =	shalt  }
0x79: {  	_ =	shalt  }
0x7a: {  	_ =	shalt  }
0x7b: {  	_ =	shalt  }
0x7c: {  	_ =	shalt  }
0x7d: {  	_ =	shalt  }
0x7e: {  	_ =	shalt  }
0x7f: {  	_ =	shalt  }
0x80: {  	_ =	shalt  }
0x81: {  	_ =	shalt  }
0x82: {  	_ =	shalt  }
0x83: {  	_ =	shalt  }
0x84: {  	_ =	shalt  }
0x85: {  	_ =	shalt  }
0x86: {  	_ =	shalt  }
0x87: {  	_ =	shalt  }
.Lfunc_end0:
.L_simem_size_0:
called_computation_lowered:
.L_overlay_start_0:
0x88: {  	s2 =	sld [smem:$0x3FD9]  }
0x89: {  	s3 =	sld [smem:$0x3FFE];
	_ =	sdelay $0x1  }
0x8a: {  	s1 =	srdreg.scid  }
0x8b: {  	s0 =	sand.u32 $0x1, s1  }
0x8c: {  	s14 =	sshll.u32 s0, $0xA;
	s2 =	sadd.s32 s3, s2  }
0x8d: {  	s2 =	sadd.s32 s2, s14  }
0x8e: {  	[smem:$0x3FC6] =	sst s2  }
0x8f: {  	_ = 	snop  }
0x90: {  	s2 =	sld [smem:$0x3FD0];
	_ =	sdelay $0x2  }
0x91: {  	s15 =	simm.s32 $0xA;
	s4 =	simm.s32 $0x10  }
0x92: {  	[smem:s4], [sflag:s15] =	dma.local [hbm:s2], $0x1  }
0x93: {  	_ =	swait.eq [sflag:s15], $0x1  }
0x94: {  	[sflag:s15] =	ssyncset.done $0x0  }
0x95: {  	s16 =	sld [smem:$0x10];
	[sflag:s15] =	ssyncadd.s32 $0xFFFFFFFF  }
0x96: {  	s17 =	sld [smem:$0x11];
	(tm) =	ssettm $0x1  }
0x97: {  	s18 =	sld [smem:$0x3FFB];
	_ =	sdelay $0x3  }
0x98: {  	_ =	strace s18  }
0x99: {  	s4 =	sld [smem:$0x3FFC];
	_ =	sdelay $0x3  }
0x9a: {  	_ =	strace s4  }
0x9b: {  	s4 =	sld [smem:$0x3FFD];
	_ =	sdelay $0x3  }
0x9c: {  	_ =	strace s4  }
0x9d: {  	_ =	strace $0x8FFFFFFF  }
0x9e: {  	s19 =	sld [smem:$0x3FDB];
	_ =	sdelay $0x1  }
0x9f: {  	s5 =	simm.s32 $_scs_section_size  }
0xa0: {  	s6 =	simm.s32 $_size__tile_overlayer_lowered;
	s7 =	simm.s32 $_tile_overlayer_lowered  }
0xa1: {  	s22 =	simm.s32 $0x1BFF;
	s21 =	sshll.u32 s7, $0x1;
	s4 =	sadd.s32 s5, s19  }
0xa2: {  	s8 =	simm.s32 $0x0;
	s20 =	sshll.u32 s6, $0x1;
	s6 =	sadd.s32 s21, s4  }
0xa3: {  	[timem:s8], [sflag:s22] =	dma.local [hbm:s6], s20  }
0xa4: {  	_ =	swait.ge [sflag:s22], s20  }
0xa5: {  	s5 =	ssub.s32 $0x0, s20;
	[sflag:s22] =	ssyncset.done $0x0  }
0xa6: {  	[sflag:s22] =	ssyncadd.s32 s5;
	_ =	sdelay $0x1  }
0xa7: {  	s23 =	simm.s32 $0x1B8B  }
0xa8: {  	_ =	swait.ge [sflag:s23], $0x1  }
0xa9: {  	[sflag:s23] =	ssyncset.done $0x0  }
0xaa: {  	s25 =	simm.s32 $0x1B8E;
	s24 =	sld [smem:$0x3FFE];
	[sflag:s23] =	ssyncadd.s32 $0xFFFFFFFF  }
0xab: {  	s26 =	simm.s32 $execute0_lowered;
	[smem:$0x3FD2] =	sst s25  }
0xac: {  	s6 =	sshll.u32 s26, $0x1;
	_ =	strace $0x80000046;
	[dreg:$0x1] =	wrdreg $0xFFFFFFFF  }
0xad: {  	s28 =	simm.s32 $_size_execute0_lowered;
	s4 =	sadd.s32 s4, s6;
	[dreg:$0x0] =	wrdreg $0x0  }
0xae: {  	s6 =	sshll.u32 s28, $0x1;
	[dreg:$0x2] =	wrdreg s4  }
0xaf: {  	[dreg:$0x3] =	wrdreg s6  }
0xb0: {  	[dreg:$0x4] =	wrdreg $0xC0  }
0xb1: {  	_ =	task [dreg:s8], $0x5FFFF  }
0xb2: {  	[dreg:$0x1] =	wrdreg $0xFFFFFFFF  }
0xb3: {  	[dreg:$0x0] =	wrdreg $0x60  }
0xb4: {  	[dreg:$0x2] =	wrdreg s16  }
0xb5: {  	[dreg:$0x3] =	wrdreg s17  }
0xb6: {  	[dreg:$0x4] =	wrdreg s24  }
0xb7: {  	[dreg:$0x5] =	wrdreg $0x9  }
0xb8: {  	_ =	task.clear_ibuf [dreg:s8], $0x6FFFF;
	_ =	strace $0x90000046  }
0xb9: {  	s29 =	simm.s32 $0x9;
	_ =	strace $0x80000048  }
0xba: {  	_ =	swait.ge [sflag:s29], $0x1  }
0xbb: {  	[sflag:s29] =	ssyncadd.s32 $0xFFFFFFFF  }
0xbc: {  	_ =	strace $0x90000048  }
0xbd: {  	_ =	sfence  }
0xbe: {  	s30 =	sld [smem:$0x0];
	_ =	sdelay $0x2  }
0xbf: {  	s31 =	sshll.u32 s1, $0xD;
	s1 =	sshrl.u32 s1, $0x2  }
0xc0: {  	s3 =	sand.u32 $0x4000, s31;
	s1 =	sadd.s32 s1, s30  }
0xc1: {  	s0 =	sor.u32 s3, s0;
	s1 =	sshll.u32 s1, $0x11  }
0xc2: {  	s0 =	sor.u32 s1, s0  }
0xc3: {  	s0 =	sadd.s32 $0x8F2B, s0  }
0xc4: {  	[sflag:s0] =	ssyncadd.remote.s32 $0x1  }
0xc5: {  	_ =	sfence.sel $0xFFFF  }
0xc6: {  	[dreg:$0x0] =	wrdreg $0xFFFFFFFF;
	(pc) =	sbr.abs _section_cstart, $3  }
0xc7: {  	[dreg:$0x1] =	wrdreg $0xFFFFFFFF  }
0xc8: {  	_ =	task.clear_ibuf [dreg:s8], $0x2FFFF;
	_ =	strace $0x9FFFFFFF  }
0xc9: {  	(tm) =	ssettm $0x7FFFFFFF  }
tec
execute0_lowered:
.L_overlay_start_1:
0x0: {  	(tag) =	ssettag $0x1  }
0x1: {  	s1 =	rddreg [dreg:$0x0];
	s2 =	srdreg.scid  }
0x2: {  	s9 =	rddreg [dreg:$0x1];
	s0 =	stileid.u32;
	s10 =	sand.u32 $0x1, s2  }
0x3: {  	s8 =	rddreg [dreg:$0x2];
	s4 =	sshll.u32 s0, $0xB;
	s5 =	sshll.u32 s10, $0xA  }
0x4: {  	s3 =	simm.s32 $0x0;
	s2 =	rddreg [dreg:$0x3];
	s11 =	sor.u32 s5, s4  }
0x5: {  	[smem:$0x7FF] =	sst s3;
	s4 =	sshrl.u32 s11, $0x3  }
0x6: {  	_ =	strace $0x80000047;
	s5 =	sadd.s32 s9, s4;
	s4 =	simm.s32 $0x2  }
0x7: {  	[tilespmem:s3], [sflag:$0x2] =	stream.linear.gather [hbm4b:s5+s3], $0x200, $0x38;
	[tilespmem:$0x10200] =	vst v63  }
0x8: {  	_ =	swait.ge [sflag:s4], $0x200  }
0x9: {  	[sflag:s4] =	ssyncset.done $0x0  }
0xa: {  	s6 =	simm.s32 $0x200;
	s7 =	simm.s32 $0x1;
	[sflag:s4] =	ssyncadd.s32 $0xFFFFFE00  }
0xb: {  	[tilespmem:s6], [sflag:$0x1] =	stream.indirect.gather [hbm4b:s1+s6], $0x80, s3, s6, $0xb8;
	[tilespmem:$0x10200] =	vst v63  }
0xc: {  	_ =	swait.ge [sflag:s7], $0x10000  }
0xd: {  	s12 =	sadd.s32 $0x800, s8;
	s28 =	sshll.u32 s11, $0x4;
	[sflag:s7] =	ssyncset.done $0x0  }
0xe: {  	s8 =	sadd.s32 s12, s28;
	[sflag:s7] =	ssyncadd.s32 $0xFFFF0000  }
0xf: {  	[hbm4b:s8+s3] =	stream.linear.scatter [tilespmem:s6], [sflag:$0x2], $0x10000, $0x38;
	[tilespmem:$0x10200] =	vst v63  }
0x10: {  	s11 =	sor.u32 $0x200, s11;
	_ =	swait.ge [sflag:s4], $0x10000  }
0x11: {  	s13 =	sshrl.u32 s11, $0x3;
	[sflag:s4] =	ssyncset.done $0x0  }
0x12: {  	s10 =	ssub.s32 $0x2, s10;
	s9 =	sadd.s32 s9, s13;
	[sflag:s4] =	ssyncadd.s32 $0xFFFF0000  }
0x13: {  	[tilespmem:s3], [sflag:$0x2] =	stream.linear.gather [hbm4b:s9+s3], $0x200, $0x38;
	[tilespmem:$0x10200] =	vst v63  }
0x14: {  	s29 =	sshrl.u32 s10, $0x1;
	_ =	swait.ge [sflag:s4], $0x200  }
0x15: {  	s13 =	ssub.s32 s10, s29;
	[sflag:s4] =	ssyncset.done $0x0  }
0x16: {  	s31 =	smax.u32 s13, $0x1;
	[sflag:s4] =	ssyncadd.s32 $0xFFFFFE00  }
0x17: {  	[tilespmem:s6], [sflag:$0x1] =	stream.indirect.gather [hbm4b:s1+s6], $0x80, s3, s6, $0xb8;
	[tilespmem:$0x10200] =	vst v63  }
0x18: {  	p0 =	sne.s32 s31, $0x1;
	_ =	swait.ge [sflag:s7], $0x10000  }
.Ltmp0:
0x19: {  	s30 =	sshll.u32 s11, $0x4;
	[sflag:s7] =	ssyncset.done $0x0;
	(pc) =	sbr.rel @!p0 .LBB2_2-.Ltmp0, $4  }
0x1a: {  	s10 =	sadd.s32 s12, s30;
	[sflag:s7] =	ssyncadd.s32 $0xFFFF0000  }
0x1b: {  	[hbm4b:s10+s3] =	stream.linear.scatter [tilespmem:s6], [sflag:$0x2], $0x10000, $0x38;
	[tilespmem:$0x10200] =	vst v63  }
0x1c: {  	_ =	swait.ge [sflag:s4], $0x10000  }
0x1d: {  	s11 =	sadd.s32 $0xFFFFFFFF, s31;
	[sflag:s4] =	ssyncset.done $0x0  }
.LBB2_1:
0x1e: {  	p0 =	sne.s32 s11, $0x1;
	s11 =	sadd.s32 $0xFFFFFFFF, s11;
	[sflag:s4] =	ssyncadd.s32 $0xFFFF0000  }
0x1f: {  	[tilespmem:s3], [sflag:$0x2] =	stream.linear.gather [hbm4b:s5+s3], $0x200, $0x38;
	[tilespmem:$0x10200] =	vst v63  }
0x20: {  	_ =	swait.ge [sflag:s4], $0x200  }
0x21: {  	[sflag:s4] =	ssyncset.done $0x0  }
0x22: {  	[sflag:s4] =	ssyncadd.s32 $0xFFFFFE00  }
0x23: {  	[tilespmem:s6], [sflag:$0x1] =	stream.indirect.gather [hbm4b:s1+s6], $0x80, s3, s6, $0xb8;
	[tilespmem:$0x10200] =	vst v63  }
0x24: {  	_ =	swait.ge [sflag:s7], $0x10000  }
0x25: {  	[sflag:s7] =	ssyncset.done $0x0  }
0x26: {  	[sflag:s7] =	ssyncadd.s32 $0xFFFF0000  }
0x27: {  	[hbm4b:s8+s3] =	stream.linear.scatter [tilespmem:s6], [sflag:$0x2], $0x10000, $0x38;
	[tilespmem:$0x10200] =	vst v63  }
0x28: {  	_ =	swait.ge [sflag:s4], $0x10000  }
0x29: {  	[sflag:s4] =	ssyncset.done $0x0  }
0x2a: {  	[sflag:s4] =	ssyncadd.s32 $0xFFFF0000  }
0x2b: {  	[tilespmem:s3], [sflag:$0x2] =	stream.linear.gather [hbm4b:s9+s3], $0x200, $0x38;
	[tilespmem:$0x10200] =	vst v63  }
0x2c: {  	_ =	swait.ge [sflag:s4], $0x200  }
0x2d: {  	[sflag:s4] =	ssyncset.done $0x0  }
0x2e: {  	[sflag:s4] =	ssyncadd.s32 $0xFFFFFE00  }
0x2f: {  	[tilespmem:s6], [sflag:$0x1] =	stream.indirect.gather [hbm4b:s1+s6], $0x80, s3, s6, $0xb8;
	[tilespmem:$0x10200] =	vst v63  }
0x30: {  	_ =	swait.ge [sflag:s7], $0x10000  }
.Ltmp1:
0x31: {  	[sflag:s7] =	ssyncset.done $0x0;
	(pc) =	sbr.rel @p0 .LBB2_1-.Ltmp1, $4  }
0x32: {  	[sflag:s7] =	ssyncadd.s32 $0xFFFF0000  }
0x33: {  	[hbm4b:s10+s3] =	stream.linear.scatter [tilespmem:s6], [sflag:$0x2], $0x10000, $0x38;
	[tilespmem:$0x10200] =	vst v63  }
0x34: {  	_ =	swait.ge [sflag:s4], $0x10000  }
0x35: {  	[sflag:s4] =	ssyncset.done $0x0  }
.LBB2_2:
0x36: {  	[sflag:s4] =	ssyncadd.s32 $0xFFFF0000  }
0x37: {  	_ =	sfence.sel $0x180000  }
0x38: {  	[bflag:$0x0] =	sbarrier.arrive $0xFFFF  }
0x39: {  	p0 =	sne.s32 s0, $0x0;
	_ =	strace $0x90000047  }
0x3a: {  	s0 =	sadd.s32 @!p0 $0x100000, s2;
	[bflag:$0x2] =	sbarrier.arrive $0xFFFF  }
0x3b: {  	[sflag:s0] =	ssyncadd.tile.s32 @!p0 $0x1;
	_ =	shalt  }
.Lfunc_end2:
_tile_overlayer_lowered:
.L_overlay_start_2:
0x3c: {  	(tag) =	ssettag $0x2  }
0x3d: {  	s0 =	rddreg [dreg:$0x0];
	s2 =	stileid.u32  }
0x3e: {  	s1 =	rddreg [dreg:$0x1];
	p0 =	sne.s32 s2, $0x0  }
0x3f: {  	s3 =	rddreg [dreg:$0x2];
	[bflag:$0x3] =	sbarrier.arrive $0xFFFF;
	s2 =	simm.s32 @!p0 $0x1C02  }
0x40: {  	[timem:s3], [sflag:s2] =	dma.local @!p0 [hbm:s0], s1  }
0x41: {  	s0 =	simm.s32 @!p0 $0x2  }
0x42: {  	_ =	swait.ge @!p0 [sflag:s0], s1  }
0x43: {  	s1 =	ssub.s32 @!p0 $0x0, s1;
	[sflag:s0] =	ssyncset.done @!p0 $0x0  }
0x44: {  	[sflag:s0] =	ssyncadd.s32 @!p0 s1  }
0x45: {  	[bflag:$0x3] =	sbarrier.arrive $0xFFFF  }
0x46: {  	_ =	shalt  }

</sc_bundles>
